<compile_context>
chip_gen: v7x
topology: tpu7x:2x2x1
jax: 0.10.2.dev20260603
libtpu: 0.0.44.dev20260713+nightly
codegen_flags: <defaults>
</compile_context>

<pallas_src>
import functools

import jax
import jax.numpy as jnp
from jax import lax
from jax.experimental import pallas as pl
from jax.experimental.pallas import tpu as pltpu
from jax.experimental.pallas import tpu_sc as plsc


@functools.lru_cache(maxsize=None)
def _make_gather_kernel(batch: int, table_len: int):
    info = plsc.get_sparse_core_info()
    nl = info.num_lanes
    ns = 8
    nc = 1
    nw = nc * ns
    assert batch % (8 * nw) == 0 and batch % (nl * nw) == 0
    bpw = batch // nw
    mesh = plsc.VectorSubcoreMesh(
        core_axis_name="c", subcore_axis_name="s", num_cores=nc,
        num_subcores=ns,
    )

    @functools.partial(
        pl.kernel,
        mesh=mesh,
        compiler_params=pltpu.CompilerParams(
            use_tc_tiling_on_sc=False,
            needs_layout_passes=False,
            disable_bounds_checks=True,
            disable_semaphore_checks=True,
            skip_device_barrier=True,
        ),
        out_type=jax.ShapeDtypeStruct((batch,), jnp.float32),
        scratch_types=[
            pltpu.VMEM((table_len,), jnp.float32),
            pltpu.VMEM((bpw,), jnp.int32),
            pltpu.VMEM((bpw,), jnp.float32),
            pltpu.SemaphoreType.DMA,
        ],
    )
    def gather_kernel(steps_hbm, table_hbm, out_hbm, table_v, idx_v, vals_v,
                      sem):
        wid = lax.axis_index("s") * nc + lax.axis_index("c")
        base = wid * bpw
        cp_t = pltpu.async_copy(table_hbm, table_v, sem)
        cp_i = pltpu.async_copy(steps_hbm.at[pl.ds(base, bpw)], idx_v, sem)
        cp_t.wait()
        cp_i.wait()
        for i in range(bpw // nl):
            idxs = idx_v[pl.ds(i * nl, nl)]
            vals_v[pl.ds(i * nl, nl)] = plsc.load_gather(table_v, [idxs])
        pltpu.sync_copy(vals_v, out_hbm.at[pl.ds(base, bpw)])

    return gather_kernel


def kernel(steps, schedule):
    batch = steps.shape[0]
    out = _make_gather_kernel(batch, schedule.shape[0])(steps, schedule)
    return out.reshape((batch, 1, 1, 1))

# --- scband reference (transcript-rebuilt; emitter-appended) ---
"""Pipeline reference for scband-diffusion-scheduler-58317065945216 (READ-ONLY COPY).

The authoritative reference and input builder live on the scoring server;
editing this copy changes nothing except your own understanding.
"""

import jax, jax.numpy as jnp
import numpy as np

MAXSTEP = 1000
BETA_MIN = 1e-4
BETA_MAX = 0.02
BATCH = 4096
IMAGE_RANK = 3  # image_shape = [256, 256, 3]


def _build_schedule():
    # Faithful to DiffusionScheduler.__init__: we materialize the
    # 'sqrt_alpha_cumprod' schedule (the one used by call in mean/add_noise).
    beta_schedule = jnp.linspace(BETA_MIN, BETA_MAX, MAXSTEP, dtype=jnp.float32)
    alpha_schedule = 1.0 - beta_schedule
    alpha_cumprod = jnp.cumprod(alpha_schedule)
    sqrt_alpha_cumprod = jnp.sqrt(alpha_cumprod)
    return sqrt_alpha_cumprod


def setup_inputs(seed: int = 0) -> dict:
    key = jax.random.key(seed)
    steps = jax.random.randint(key, (BATCH,), 0, MAXSTEP, dtype=jnp.int32)
    schedule = _build_schedule()
    return {"steps": steps, "schedule": schedule}


def reference(steps, schedule):
    # DiffusionScheduler.call(('sqrt_alpha_cumprod', steps)):
    #   steps reshaped to [B] + rank*[1], then tf.gather(schedule, steps)
    sample_size = steps.shape[0]
    steps_r = jnp.reshape(steps, (sample_size,) + (1,) * IMAGE_RANK)
    out = jnp.take(schedule, steps_r, axis=0)
    return out

if __name__ == "__main__":
    import jax
    _d = setup_inputs()
    print(jax.jit(kernel)(*tuple(_d.values())))

</pallas_src>

<mosaic_0001>
#map = affine_map<(d0, d1) -> (0)>
module attributes {stable_mosaic.version = 14 : i64} {
  func.func @gather_kernel(%arg0: i32, %arg1: i32, %arg2: memref<4096xi32, #tpu.memory_space<hbm>>, %arg3: memref<1000xf32, #tpu.memory_space<hbm>>, %arg4: memref<4096xf32, #tpu.memory_space<hbm>>, %arg5: memref<1000xf32, #tpu.memory_space<vmem>>, %arg6: memref<512xi32, #tpu.memory_space<vmem>>, %arg7: memref<512xf32, #tpu.memory_space<vmem>>, %arg8: memref<!tpu.dma_semaphore, #tpu.memory_space<semaphore_mem>>) attributes {dimension_semantics = [#tpu.dimension_semantics<core_parallel>, #tpu.dimension_semantics<subcore_parallel>], iteration_bounds = array<i64: 1, 8>, scalar_prefetch = 0 : i64, scratch_operands = 4 : i64, tpu.core_type = #tpu.core_type<sc_vector_subcore>, window_params = [{transform_indices = #map}, {transform_indices = #map}, {transform_indices = #map}]} {
    %mul3A = arith.constant 1 : i32
    %mul3A_0 = arith.muli %arg1, %mul3A : i32
    %add3A = arith.addi %mul3A_0, %arg0 : i32
    %mul3A_1 = arith.constant 512 : i32
    %mul3A_2 = arith.muli %add3A, %mul3A_1 : i32
    tpu.enqueue_dma source(%arg3 : memref<1000xf32, #tpu.memory_space<hbm>>) target(%arg5 : memref<1000xf32, #tpu.memory_space<vmem>>) target_semaphore(%arg8 : memref<!tpu.dma_semaphore, #tpu.memory_space<semaphore_mem>>)
    %dma_start3A = tpu.memref_slice %arg2[%mul3A_2] : memref<4096xi32, #tpu.memory_space<hbm>> -> memref<512xi32, #tpu.memory_space<hbm>>
    %dma_start3A_3 = tpu.memref_slice %arg2[%mul3A_2] : memref<4096xi32, #tpu.memory_space<hbm>> -> memref<512xi32, #tpu.memory_space<hbm>>
    tpu.enqueue_dma source(%dma_start3A_3 : memref<512xi32, #tpu.memory_space<hbm>>) target(%arg6 : memref<512xi32, #tpu.memory_space<vmem>>) target_semaphore(%arg8 : memref<!tpu.dma_semaphore, #tpu.memory_space<semaphore_mem>>)
    tpu.wait_dma2 semaphore(%arg8 : memref<!tpu.dma_semaphore, #tpu.memory_space<semaphore_mem>>) src(%arg3 : memref<1000xf32, #tpu.memory_space<hbm>>) dst(%arg5 : memref<1000xf32, #tpu.memory_space<vmem>>)
    %dma_wait3A = tpu.memref_slice %arg2[%mul3A_2] : memref<4096xi32, #tpu.memory_space<hbm>> -> memref<512xi32, #tpu.memory_space<hbm>>
    %dma_wait3A_4 = tpu.memref_slice %arg2[%mul3A_2] : memref<4096xi32, #tpu.memory_space<hbm>> -> memref<512xi32, #tpu.memory_space<hbm>>
    tpu.wait_dma2 semaphore(%arg8 : memref<!tpu.dma_semaphore, #tpu.memory_space<semaphore_mem>>) src(%dma_wait3A_4 : memref<512xi32, #tpu.memory_space<hbm>>) dst(%arg6 : memref<512xi32, #tpu.memory_space<vmem>>)
    %get3A = arith.constant 0 : index
    %get3A_5 = tpu.vector_load %arg6[%get3A] {strides = array<i32>} : memref<512xi32, #tpu.memory_space<vmem>>, vector<16xi32>,
    %gather3A = tpu.vector_load_idx %arg5[%get3A_5] : memref<1000xf32, #tpu.memory_space<vmem>>[vector<16xi32>], vector<16xf32>,
    %swap3A = arith.constant 0 : index
    %swap3A_6 = tpu.vector_load %arg7[%swap3A] {strides = array<i32>} : memref<512xf32, #tpu.memory_space<vmem>>, vector<16xf32>,
    tpu.vector_store %arg7[%swap3A], %gather3A {strides = array<i32>} : memref<512xf32, #tpu.memory_space<vmem>>, vector<16xf32>,
    %get3A_7 = arith.constant 16 : index
    %get3A_8 = tpu.vector_load %arg6[%get3A_7] {strides = array<i32>} : memref<512xi32, #tpu.memory_space<vmem>>, vector<16xi32>,
    %gather3A_9 = tpu.vector_load_idx %arg5[%get3A_8] : memref<1000xf32, #tpu.memory_space<vmem>>[vector<16xi32>], vector<16xf32>,
    %swap3A_10 = arith.constant 16 : index
    %swap3A_11 = tpu.vector_load %arg7[%swap3A_10] {strides = array<i32>} : memref<512xf32, #tpu.memory_space<vmem>>, vector<16xf32>,
    tpu.vector_store %arg7[%swap3A_10], %gather3A_9 {strides = array<i32>} : memref<512xf32, #tpu.memory_space<vmem>>, vector<16xf32>,
    %get3A_12 = arith.constant 32 : index
    %get3A_13 = tpu.vector_load %arg6[%get3A_12] {strides = array<i32>} : memref<512xi32, #tpu.memory_space<vmem>>, vector<16xi32>,
    %gather3A_14 = tpu.vector_load_idx %arg5[%get3A_13] : memref<1000xf32, #tpu.memory_space<vmem>>[vector<16xi32>], vector<16xf32>,
    %swap3A_15 = arith.constant 32 : index
    %swap3A_16 = tpu.vector_load %arg7[%swap3A_15] {strides = array<i32>} : memref<512xf32, #tpu.memory_space<vmem>>, vector<16xf32>,
    tpu.vector_store %arg7[%swap3A_15], %gather3A_14 {strides = array<i32>} : memref<512xf32, #tpu.memory_space<vmem>>, vector<16xf32>,
    %get3A_17 = arith.constant 48 : index
    %get3A_18 = tpu.vector_load %arg6[%get3A_17] {strides = array<i32>} : memref<512xi32, #tpu.memory_space<vmem>>, vector<16xi32>,
    %gather3A_19 = tpu.vector_load_idx %arg5[%get3A_18] : memref<1000xf32, #tpu.memory_space<vmem>>[vector<16xi32>], vector<16xf32>,
    %swap3A_20 = arith.constant 48 : index
    %swap3A_21 = tpu.vector_load %arg7[%swap3A_20] {strides = array<i32>} : memref<512xf32, #tpu.memory_space<vmem>>, vector<16xf32>,
    tpu.vector_store %arg7[%swap3A_20], %gather3A_19 {strides = array<i32>} : memref<512xf32, #tpu.memory_space<vmem>>, vector<16xf32>,
    %get3A_22 = arith.constant 64 : index
    %get3A_23 = tpu.vector_load %arg6[%get3A_22] {strides = array<i32>} : memref<512xi32, #tpu.memory_space<vmem>>, vector<16xi32>,
    %gather3A_24 = tpu.vector_load_idx %arg5[%get3A_23] : memref<1000xf32, #tpu.memory_space<vmem>>[vector<16xi32>], vector<16xf32>,
    %swap3A_25 = arith.constant 64 : index
    %swap3A_26 = tpu.vector_load %arg7[%swap3A_25] {strides = array<i32>} : memref<512xf32, #tpu.memory_space<vmem>>, vector<16xf32>,
    tpu.vector_store %arg7[%swap3A_25], %gather3A_24 {strides = array<i32>} : memref<512xf32, #tpu.memory_space<vmem>>, vector<16xf32>,
    %get3A_27 = arith.constant 80 : index
    %get3A_28 = tpu.vector_load %arg6[%get3A_27] {strides = array<i32>} : memref<512xi32, #tpu.memory_space<vmem>>, vector<16xi32>,
    %gather3A_29 = tpu.vector_load_idx %arg5[%get3A_28] : memref<1000xf32, #tpu.memory_space<vmem>>[vector<16xi32>], vector<16xf32>,
    %swap3A_30 = arith.constant 80 : index
    %swap3A_31 = tpu.vector_load %arg7[%swap3A_30] {strides = array<i32>} : memref<512xf32, #tpu.memory_space<vmem>>, vector<16xf32>,
    tpu.vector_store %arg7[%swap3A_30], %gather3A_29 {strides = array<i32>} : memref<512xf32, #tpu.memory_space<vmem>>, vector<16xf32>,
    %get3A_32 = arith.constant 96 : index
    %get3A_33 = tpu.vector_load %arg6[%get3A_32] {strides = array<i32>} : memref<512xi32, #tpu.memory_space<vmem>>, vector<16xi32>,
    %gather3A_34 = tpu.vector_load_idx %arg5[%get3A_33] : memref<1000xf32, #tpu.memory_space<vmem>>[vector<16xi32>], vector<16xf32>,
    %swap3A_35 = arith.constant 96 : index
    %swap3A_36 = tpu.vector_load %arg7[%swap3A_35] {strides = array<i32>} : memref<512xf32, #tpu.memory_space<vmem>>, vector<16xf32>,
    tpu.vector_store %arg7[%swap3A_35], %gather3A_34 {strides = array<i32>} : memref<512xf32, #tpu.memory_space<vmem>>, vector<16xf32>,
    %get3A_37 = arith.constant 112 : index
    %get3A_38 = tpu.vector_load %arg6[%get3A_37] {strides = array<i32>} : memref<512xi32, #tpu.memory_space<vmem>>, vector<16xi32>,
    %gather3A_39 = tpu.vector_load_idx %arg5[%get3A_38] : memref<1000xf32, #tpu.memory_space<vmem>>[vector<16xi32>], vector<16xf32>,
    %swap3A_40 = arith.constant 112 : index
    %swap3A_41 = tpu.vector_load %arg7[%swap3A_40] {strides = array<i32>} : memref<512xf32, #tpu.memory_space<vmem>>, vector<16xf32>,
    tpu.vector_store %arg7[%swap3A_40], %gather3A_39 {strides = array<i32>} : memref<512xf32, #tpu.memory_space<vmem>>, vector<16xf32>,
    %get3A_42 = arith.constant 128 : index
    %get3A_43 = tpu.vector_load %arg6[%get3A_42] {strides = array<i32>} : memref<512xi32, #tpu.memory_space<vmem>>, vector<16xi32>,
    %gather3A_44 = tpu.vector_load_idx %arg5[%get3A_43] : memref<1000xf32, #tpu.memory_space<vmem>>[vector<16xi32>], vector<16xf32>,
    %swap3A_45 = arith.constant 128 : index
    %swap3A_46 = tpu.vector_load %arg7[%swap3A_45] {strides = array<i32>} : memref<512xf32, #tpu.memory_space<vmem>>, vector<16xf32>,
    tpu.vector_store %arg7[%swap3A_45], %gather3A_44 {strides = array<i32>} : memref<512xf32, #tpu.memory_space<vmem>>, vector<16xf32>,
    %get3A_47 = arith.constant 144 : index
    %get3A_48 = tpu.vector_load %arg6[%get3A_47] {strides = array<i32>} : memref<512xi32, #tpu.memory_space<vmem>>, vector<16xi32>,
    %gather3A_49 = tpu.vector_load_idx %arg5[%get3A_48] : memref<1000xf32, #tpu.memory_space<vmem>>[vector<16xi32>], vector<16xf32>,
    %swap3A_50 = arith.constant 144 : index
    %swap3A_51 = tpu.vector_load %arg7[%swap3A_50] {strides = array<i32>} : memref<512xf32, #tpu.memory_space<vmem>>, vector<16xf32>,
    tpu.vector_store %arg7[%swap3A_50], %gather3A_49 {strides = array<i32>} : memref<512xf32, #tpu.memory_space<vmem>>, vector<16xf32>,
    %get3A_52 = arith.constant 160 : index
    %get3A_53 = tpu.vector_load %arg6[%get3A_52] {strides = array<i32>} : memref<512xi32, #tpu.memory_space<vmem>>, vector<16xi32>,
    %gather3A_54 = tpu.vector_load_idx %arg5[%get3A_53] : memref<1000xf32, #tpu.memory_space<vmem>>[vector<16xi32>], vector<16xf32>,
    %swap3A_55 = arith.constant 160 : index
    %swap3A_56 = tpu.vector_load %arg7[%swap3A_55] {strides = array<i32>} : memref<512xf32, #tpu.memory_space<vmem>>, vector<16xf32>,
    tpu.vector_store %arg7[%swap3A_55], %gather3A_54 {strides = array<i32>} : memref<512xf32, #tpu.memory_space<vmem>>, vector<16xf32>,
    %get3A_57 = arith.constant 176 : index
    %get3A_58 = tpu.vector_load %arg6[%get3A_57] {strides = array<i32>} : memref<512xi32, #tpu.memory_space<vmem>>, vector<16xi32>,
    %gather3A_59 = tpu.vector_load_idx %arg5[%get3A_58] : memref<1000xf32, #tpu.memory_space<vmem>>[vector<16xi32>], vector<16xf32>,
    %swap3A_60 = arith.constant 176 : index
    %swap3A_61 = tpu.vector_load %arg7[%swap3A_60] {strides = array<i32>} : memref<512xf32, #tpu.memory_space<vmem>>, vector<16xf32>,
    tpu.vector_store %arg7[%swap3A_60], %gather3A_59 {strides = array<i32>} : memref<512xf32, #tpu.memory_space<vmem>>, vector<16xf32>,
    %get3A_62 = arith.constant 192 : index
    %get3A_63 = tpu.vector_load %arg6[%get3A_62] {strides = array<i32>} : memref<512xi32, #tpu.memory_space<vmem>>, vector<16xi32>,
    %gather3A_64 = tpu.vector_load_idx %arg5[%get3A_63] : memref<1000xf32, #tpu.memory_space<vmem>>[vector<16xi32>], vector<16xf32>,
    %swap3A_65 = arith.constant 192 : index
    %swap3A_66 = tpu.vector_load %arg7[%swap3A_65] {strides = array<i32>} : memref<512xf32, #tpu.memory_space<vmem>>, vector<16xf32>,
    tpu.vector_store %arg7[%swap3A_65], %gather3A_64 {strides = array<i32>} : memref<512xf32, #tpu.memory_space<vmem>>, vector<16xf32>,
    %get3A_67 = arith.constant 208 : index
    %get3A_68 = tpu.vector_load %arg6[%get3A_67] {strides = array<i32>} : memref<512xi32, #tpu.memory_space<vmem>>, vector<16xi32>,
    %gather3A_69 = tpu.vector_load_idx %arg5[%get3A_68] : memref<1000xf32, #tpu.memory_space<vmem>>[vector<16xi32>], vector<16xf32>,
    %swap3A_70 = arith.constant 208 : index
    %swap3A_71 = tpu.vector_load %arg7[%swap3A_70] {strides = array<i32>} : memref<512xf32, #tpu.memory_space<vmem>>, vector<16xf32>,
    tpu.vector_store %arg7[%swap3A_70], %gather3A_69 {strides = array<i32>} : memref<512xf32, #tpu.memory_space<vmem>>, vector<16xf32>,
    %get3A_72 = arith.constant 224 : index
    %get3A_73 = tpu.vector_load %arg6[%get3A_72] {strides = array<i32>} : memref<512xi32, #tpu.memory_space<vmem>>, vector<16xi32>,
    %gather3A_74 = tpu.vector_load_idx %arg5[%get3A_73] : memref<1000xf32, #tpu.memory_space<vmem>>[vector<16xi32>], vector<16xf32>,
    %swap3A_75 = arith.constant 224 : index
    %swap3A_76 = tpu.vector_load %arg7[%swap3A_75] {strides = array<i32>} : memref<512xf32, #tpu.memory_space<vmem>>, vector<16xf32>,
    tpu.vector_store %arg7[%swap3A_75], %gather3A_74 {strides = array<i32>} : memref<512xf32, #tpu.memory_space<vmem>>, vector<16xf32>,
    %get3A_77 = arith.constant 240 : index
    %get3A_78 = tpu.vector_load %arg6[%get3A_77] {strides = array<i32>} : memref<512xi32, #tpu.memory_space<vmem>>, vector<16xi32>,
    %gather3A_79 = tpu.vector_load_idx %arg5[%get3A_78] : memref<1000xf32, #tpu.memory_space<vmem>>[vector<16xi32>], vector<16xf32>,
    %swap3A_80 = arith.constant 240 : index
    %swap3A_81 = tpu.vector_load %arg7[%swap3A_80] {strides = array<i32>} : memref<512xf32, #tpu.memory_space<vmem>>, vector<16xf32>,
    tpu.vector_store %arg7[%swap3A_80], %gather3A_79 {strides = array<i32>} : memref<512xf32, #tpu.memory_space<vmem>>, vector<16xf32>,
    %get3A_82 = arith.constant 256 : index
    %get3A_83 = tpu.vector_load %arg6[%get3A_82] {strides = array<i32>} : memref<512xi32, #tpu.memory_space<vmem>>, vector<16xi32>,
    %gather3A_84 = tpu.vector_load_idx %arg5[%get3A_83] : memref<1000xf32, #tpu.memory_space<vmem>>[vector<16xi32>], vector<16xf32>,
    %swap3A_85 = arith.constant 256 : index
    %swap3A_86 = tpu.vector_load %arg7[%swap3A_85] {strides = array<i32>} : memref<512xf32, #tpu.memory_space<vmem>>, vector<16xf32>,
    tpu.vector_store %arg7[%swap3A_85], %gather3A_84 {strides = array<i32>} : memref<512xf32, #tpu.memory_space<vmem>>, vector<16xf32>,
    %get3A_87 = arith.constant 272 : index
    %get3A_88 = tpu.vector_load %arg6[%get3A_87] {strides = array<i32>} : memref<512xi32, #tpu.memory_space<vmem>>, vector<16xi32>,
    %gather3A_89 = tpu.vector_load_idx %arg5[%get3A_88] : memref<1000xf32, #tpu.memory_space<vmem>>[vector<16xi32>], vector<16xf32>,
    %swap3A_90 = arith.constant 272 : index
    %swap3A_91 = tpu.vector_load %arg7[%swap3A_90] {strides = array<i32>} : memref<512xf32, #tpu.memory_space<vmem>>, vector<16xf32>,
    tpu.vector_store %arg7[%swap3A_90], %gather3A_89 {strides = array<i32>} : memref<512xf32, #tpu.memory_space<vmem>>, vector<16xf32>,
    %get3A_92 = arith.constant 288 : index
    %get3A_93 = tpu.vector_load %arg6[%get3A_92] {strides = array<i32>} : memref<512xi32, #tpu.memory_space<vmem>>, vector<16xi32>,
    %gather3A_94 = tpu.vector_load_idx %arg5[%get3A_93] : memref<1000xf32, #tpu.memory_space<vmem>>[vector<16xi32>], vector<16xf32>,
    %swap3A_95 = arith.constant 288 : index
    %swap3A_96 = tpu.vector_load %arg7[%swap3A_95] {strides = array<i32>} : memref<512xf32, #tpu.memory_space<vmem>>, vector<16xf32>,
    tpu.vector_store %arg7[%swap3A_95], %gather3A_94 {strides = array<i32>} : memref<512xf32, #tpu.memory_space<vmem>>, vector<16xf32>,
    %get3A_97 = arith.constant 304 : index
    %get3A_98 = tpu.vector_load %arg6[%get3A_97] {strides = array<i32>} : memref<512xi32, #tpu.memory_space<vmem>>, vector<16xi32>,
    %gather3A_99 = tpu.vector_load_idx %arg5[%get3A_98] : memref<1000xf32, #tpu.memory_space<vmem>>[vector<16xi32>], vector<16xf32>,
    %swap3A_100 = arith.constant 304 : index
    %swap3A_101 = tpu.vector_load %arg7[%swap3A_100] {strides = array<i32>} : memref<512xf32, #tpu.memory_space<vmem>>, vector<16xf32>,
    tpu.vector_store %arg7[%swap3A_100], %gather3A_99 {strides = array<i32>} : memref<512xf32, #tpu.memory_space<vmem>>, vector<16xf32>,
    %get3A_102 = arith.constant 320 : index
    %get3A_103 = tpu.vector_load %arg6[%get3A_102] {strides = array<i32>} : memref<512xi32, #tpu.memory_space<vmem>>, vector<16xi32>,
    %gather3A_104 = tpu.vector_load_idx %arg5[%get3A_103] : memref<1000xf32, #tpu.memory_space<vmem>>[vector<16xi32>], vector<16xf32>,
    %swap3A_105 = arith.constant 320 : index
    %swap3A_106 = tpu.vector_load %arg7[%swap3A_105] {strides = array<i32>} : memref<512xf32, #tpu.memory_space<vmem>>, vector<16xf32>,
    tpu.vector_store %arg7[%swap3A_105], %gather3A_104 {strides = array<i32>} : memref<512xf32, #tpu.memory_space<vmem>>, vector<16xf32>,
    %get3A_107 = arith.constant 336 : index
    %get3A_108 = tpu.vector_load %arg6[%get3A_107] {strides = array<i32>} : memref<512xi32, #tpu.memory_space<vmem>>, vector<16xi32>,
    %gather3A_109 = tpu.vector_load_idx %arg5[%get3A_108] : memref<1000xf32, #tpu.memory_space<vmem>>[vector<16xi32>], vector<16xf32>,
    %swap3A_110 = arith.constant 336 : index
    %swap3A_111 = tpu.vector_load %arg7[%swap3A_110] {strides = array<i32>} : memref<512xf32, #tpu.memory_space<vmem>>, vector<16xf32>,
    tpu.vector_store %arg7[%swap3A_110], %gather3A_109 {strides = array<i32>} : memref<512xf32, #tpu.memory_space<vmem>>, vector<16xf32>,
    %get3A_112 = arith.constant 352 : index
    %get3A_113 = tpu.vector_load %arg6[%get3A_112] {strides = array<i32>} : memref<512xi32, #tpu.memory_space<vmem>>, vector<16xi32>,
    %gather3A_114 = tpu.vector_load_idx %arg5[%get3A_113] : memref<1000xf32, #tpu.memory_space<vmem>>[vector<16xi32>], vector<16xf32>,
    %swap3A_115 = arith.constant 352 : index
    %swap3A_116 = tpu.vector_load %arg7[%swap3A_115] {strides = array<i32>} : memref<512xf32, #tpu.memory_space<vmem>>, vector<16xf32>,
    tpu.vector_store %arg7[%swap3A_115], %gather3A_114 {strides = array<i32>} : memref<512xf32, #tpu.memory_space<vmem>>, vector<16xf32>,
    %get3A_117 = arith.constant 368 : index
    %get3A_118 = tpu.vector_load %arg6[%get3A_117] {strides = array<i32>} : memref<512xi32, #tpu.memory_space<vmem>>, vector<16xi32>,
    %gather3A_119 = tpu.vector_load_idx %arg5[%get3A_118] : memref<1000xf32, #tpu.memory_space<vmem>>[vector<16xi32>], vector<16xf32>,
    %swap3A_120 = arith.constant 368 : index
    %swap3A_121 = tpu.vector_load %arg7[%swap3A_120] {strides = array<i32>} : memref<512xf32, #tpu.memory_space<vmem>>, vector<16xf32>,
    tpu.vector_store %arg7[%swap3A_120], %gather3A_119 {strides = array<i32>} : memref<512xf32, #tpu.memory_space<vmem>>, vector<16xf32>,
    %get3A_122 = arith.constant 384 : index
    %get3A_123 = tpu.vector_load %arg6[%get3A_122] {strides = array<i32>} : memref<512xi32, #tpu.memory_space<vmem>>, vector<16xi32>,
    %gather3A_124 = tpu.vector_load_idx %arg5[%get3A_123] : memref<1000xf32, #tpu.memory_space<vmem>>[vector<16xi32>], vector<16xf32>,
    %swap3A_125 = arith.constant 384 : index
    %swap3A_126 = tpu.vector_load %arg7[%swap3A_125] {strides = array<i32>} : memref<512xf32, #tpu.memory_space<vmem>>, vector<16xf32>,
    tpu.vector_store %arg7[%swap3A_125], %gather3A_124 {strides = array<i32>} : memref<512xf32, #tpu.memory_space<vmem>>, vector<16xf32>,
    %get3A_127 = arith.constant 400 : index
    %get3A_128 = tpu.vector_load %arg6[%get3A_127] {strides = array<i32>} : memref<512xi32, #tpu.memory_space<vmem>>, vector<16xi32>,
    %gather3A_129 = tpu.vector_load_idx %arg5[%get3A_128] : memref<1000xf32, #tpu.memory_space<vmem>>[vector<16xi32>], vector<16xf32>,
    %swap3A_130 = arith.constant 400 : index
    %swap3A_131 = tpu.vector_load %arg7[%swap3A_130] {strides = array<i32>} : memref<512xf32, #tpu.memory_space<vmem>>, vector<16xf32>,
    tpu.vector_store %arg7[%swap3A_130], %gather3A_129 {strides = array<i32>} : memref<512xf32, #tpu.memory_space<vmem>>, vector<16xf32>,
    %get3A_132 = arith.constant 416 : index
    %get3A_133 = tpu.vector_load %arg6[%get3A_132] {strides = array<i32>} : memref<512xi32, #tpu.memory_space<vmem>>, vector<16xi32>,
    %gather3A_134 = tpu.vector_load_idx %arg5[%get3A_133] : memref<1000xf32, #tpu.memory_space<vmem>>[vector<16xi32>], vector<16xf32>,
    %swap3A_135 = arith.constant 416 : index
    %swap3A_136 = tpu.vector_load %arg7[%swap3A_135] {strides = array<i32>} : memref<512xf32, #tpu.memory_space<vmem>>, vector<16xf32>,
    tpu.vector_store %arg7[%swap3A_135], %gather3A_134 {strides = array<i32>} : memref<512xf32, #tpu.memory_space<vmem>>, vector<16xf32>,
    %get3A_137 = arith.constant 432 : index
    %get3A_138 = tpu.vector_load %arg6[%get3A_137] {strides = array<i32>} : memref<512xi32, #tpu.memory_space<vmem>>, vector<16xi32>,
    %gather3A_139 = tpu.vector_load_idx %arg5[%get3A_138] : memref<1000xf32, #tpu.memory_space<vmem>>[vector<16xi32>], vector<16xf32>,
    %swap3A_140 = arith.constant 432 : index
    %swap3A_141 = tpu.vector_load %arg7[%swap3A_140] {strides = array<i32>} : memref<512xf32, #tpu.memory_space<vmem>>, vector<16xf32>,
    tpu.vector_store %arg7[%swap3A_140], %gather3A_139 {strides = array<i32>} : memref<512xf32, #tpu.memory_space<vmem>>, vector<16xf32>,
    %get3A_142 = arith.constant 448 : index
    %get3A_143 = tpu.vector_load %arg6[%get3A_142] {strides = array<i32>} : memref<512xi32, #tpu.memory_space<vmem>>, vector<16xi32>,
    %gather3A_144 = tpu.vector_load_idx %arg5[%get3A_143] : memref<1000xf32, #tpu.memory_space<vmem>>[vector<16xi32>], vector<16xf32>,
    %swap3A_145 = arith.constant 448 : index
    %swap3A_146 = tpu.vector_load %arg7[%swap3A_145] {strides = array<i32>} : memref<512xf32, #tpu.memory_space<vmem>>, vector<16xf32>,
    tpu.vector_store %arg7[%swap3A_145], %gather3A_144 {strides = array<i32>} : memref<512xf32, #tpu.memory_space<vmem>>, vector<16xf32>,
    %get3A_147 = arith.constant 464 : index
    %get3A_148 = tpu.vector_load %arg6[%get3A_147] {strides = array<i32>} : memref<512xi32, #tpu.memory_space<vmem>>, vector<16xi32>,
    %gather3A_149 = tpu.vector_load_idx %arg5[%get3A_148] : memref<1000xf32, #tpu.memory_space<vmem>>[vector<16xi32>], vector<16xf32>,
    %swap3A_150 = arith.constant 464 : index
    %swap3A_151 = tpu.vector_load %arg7[%swap3A_150] {strides = array<i32>} : memref<512xf32, #tpu.memory_space<vmem>>, vector<16xf32>,
    tpu.vector_store %arg7[%swap3A_150], %gather3A_149 {strides = array<i32>} : memref<512xf32, #tpu.memory_space<vmem>>, vector<16xf32>,
    %get3A_152 = arith.constant 480 : index
    %get3A_153 = tpu.vector_load %arg6[%get3A_152] {strides = array<i32>} : memref<512xi32, #tpu.memory_space<vmem>>, vector<16xi32>,
    %gather3A_154 = tpu.vector_load_idx %arg5[%get3A_153] : memref<1000xf32, #tpu.memory_space<vmem>>[vector<16xi32>], vector<16xf32>,
    %swap3A_155 = arith.constant 480 : index
    %swap3A_156 = tpu.vector_load %arg7[%swap3A_155] {strides = array<i32>} : memref<512xf32, #tpu.memory_space<vmem>>, vector<16xf32>,
    tpu.vector_store %arg7[%swap3A_155], %gather3A_154 {strides = array<i32>} : memref<512xf32, #tpu.memory_space<vmem>>, vector<16xf32>,
    %get3A_157 = arith.constant 496 : index
    %get3A_158 = tpu.vector_load %arg6[%get3A_157] {strides = array<i32>} : memref<512xi32, #tpu.memory_space<vmem>>, vector<16xi32>,
    %gather3A_159 = tpu.vector_load_idx %arg5[%get3A_158] : memref<1000xf32, #tpu.memory_space<vmem>>[vector<16xi32>], vector<16xf32>,
    %swap3A_160 = arith.constant 496 : index
    %swap3A_161 = tpu.vector_load %arg7[%swap3A_160] {strides = array<i32>} : memref<512xf32, #tpu.memory_space<vmem>>, vector<16xf32>,
    tpu.vector_store %arg7[%swap3A_160], %gather3A_159 {strides = array<i32>} : memref<512xf32, #tpu.memory_space<vmem>>, vector<16xf32>,
    "tpu.region"() ({
      %run_scoped3A = tpu.sem_alloc : memref<!tpu.dma_semaphore, #tpu.memory_space<semaphore_mem>>
      %dma_start3A_162 = tpu.memref_slice %arg4[%mul3A_2] : memref<4096xf32, #tpu.memory_space<hbm>> -> memref<512xf32, #tpu.memory_space<hbm>>
      %dma_start3A_163 = tpu.memref_slice %arg4[%mul3A_2] : memref<4096xf32, #tpu.memory_space<hbm>> -> memref<512xf32, #tpu.memory_space<hbm>>
      tpu.enqueue_dma source(%arg7 : memref<512xf32, #tpu.memory_space<vmem>>) target(%dma_start3A_163 : memref<512xf32, #tpu.memory_space<hbm>>) target_semaphore(%run_scoped3A : memref<!tpu.dma_semaphore, #tpu.memory_space<semaphore_mem>>)
      %dma_wait3A_164 = tpu.memref_slice %arg4[%mul3A_2] : memref<4096xf32, #tpu.memory_space<hbm>> -> memref<512xf32, #tpu.memory_space<hbm>>
      %dma_wait3A_165 = tpu.memref_slice %arg4[%mul3A_2] : memref<4096xf32, #tpu.memory_space<hbm>> -> memref<512xf32, #tpu.memory_space<hbm>>
      tpu.wait_dma2 semaphore(%run_scoped3A : memref<!tpu.dma_semaphore, #tpu.memory_space<semaphore_mem>>) src(%arg7 : memref<512xf32, #tpu.memory_space<vmem>>) dst(%dma_wait3A_165 : memref<512xf32, #tpu.memory_space<hbm>>)
      tpu.yield
    }) : () -> ()
    return
  }
}

</mosaic_0001>

<sc_bundles>
// kernel: kernel.3.cloned.1.call-start
scs
__scs_entry_jumppad:
0x0: {  	(pc) =	sbr.rel $0x88, $3  }
0x1: {  	(tag) =	ssettag $0x0;
	lr =	simm.s32 $0x1  }
0x2: {  	[smem:$0x3F9F] =	sst lr;
	_ =	strace $0xD0000000  }
0x3: {  	_ = 	snop  }
0x4: {  	_ = 	snop  }
0x5: {  	_ = 	snop  }
0x6: {  	_ = 	snop  }
0x7: {  	_ = 	snop  }
__scs_overlays_trampoline_lowered:
0x8: {  	[smem:$0x3FAE] =	sst s0  }
0x9: {  	[smem:$0x3FAF] =	sst s1  }
0xa: {  	[smem:$0x3FB0] =	sst s2  }
0xb: {  	[smem:$0x3FB1] =	sst s3  }
0xc: {  	[smem:$0x3FB2] =	sst s4  }
0xd: {  	[smem:$0x3FB3] =	sst s5  }
0xe: {  	[smem:$0x3FB4] =	sst s6  }
0xf: {  	[smem:$0x3FB5] =	sst s7  }
0x10: {  	[smem:$0x3FB6] =	sst s8  }
0x11: {  	[smem:$0x3FB7] =	sst s9;
	s0 =	simm.s32 @!p0 $0x0  }
0x12: {  	s1 =	sld [smem:$0x3F9D];
	s0 =	simm.s32 @p0 $0x1  }
0x13: {  	[smem:$0x3FB8] =	sst s0;
	s0 =	simm.s32 @!p1 $0x0  }
0x14: {  	s2 =	sld [smem:$0x3F9C];
	s0 =	simm.s32 @p1 $0x1  }
0x15: {  	[smem:$0x3FB9] =	sst s0;
	s0 =	simm.s32 @!p2 $0x0  }
0x16: {  	s3 =	sld [smem:$0x3FDB];
	s0 =	simm.s32 @p2 $0x1  }
0x17: {  	s4 =	simm.s32 $0x1BF5;
	[smem:$0x3FBB] =	sst s0  }
0x18: {  	s0 =	sld [smem:$0x3F9E];
	_ =	swait.ge [sflag:s4], $0x0  }
0x19: {  	s7 =	sld [smem:$0x3F9F]  }
0x1a: {  	s8 =	sadd.s32 $0xFFFFE003, lr  }
0x1b: {  	s9 =	sadd.s32 $0xFFFFFEF7, lr;
	s5 =	simm.s32 $0xFFFFFFFF;
	p2 =	slt.u32 s8, $0xFFFFF086  }
0x1c: {  	p1 =	slt.u32 s9, $0xF7A;
	s5 =	simm.s32 @!p2 $0x0  }
0x1d: {  	s5 =	simm.s32 @p1 $0x1;
	p0 =	seq.s32 s7, s2  }
0x1e: {  	s7 =	smul.u32 @!p0 $0xF7A, s2;
	p2 =	seq.s32 @!p0 s5, $0x0  }
0x1f: {  	s9 =	smul.u32 $0xF7A, s1;
	s8 =	simm.s32 @!p0 $0x1BF5;
	p2 =	por !p2, p0  }
0x20: {  	[sflag:s8] =	ssyncset.s32 @!p0 $0xFFFFF086;
	s6 =	sadd.s32 @!p0 s3, s7;
	s7 =	simm.s32 @!p0 $0x108  }
0x21: {  	s3 =	sadd.s32 s3, s9;
	s6 =	sadd.s32 @!p0 $0x88, s6;
	s7 =	simm.s32 @p2 $0x1082  }
0x22: {  	[simem:s7], [sflag:s8] =	dma.local @!p0 [hbm:s6], $0xF7A  }
0x23: {  	s9 =	sor.u32 $0xD0000000, s2;
	s6 =	simm.s32 $0x108;
	_ =	swait.ge @!p0 [sflag:s8], $0x0  }
0x24: {  	s3 =	sadd.s32 $0x88, s3;
	s6 =	simm.s32 @!p1 $0x1082;
	[sflag:s4] =	ssyncset.s32 $0xFFFFF086  }
0x25: {  	[simem:s6], [sflag:s4] =	dma.local [hbm:s3], $0xF7A  }
0x26: {  	[smem:$0x3F9F] =	sst s1;
	(tag) =	ssettag s2;
	_ =	strace s9  }
0x27: {  	s1 =	sld [smem:$0x3FAF]  }
0x28: {  	s2 =	sld [smem:$0x3FB0]  }
0x29: {  	s4 =	sld [smem:$0x3FB2]  }
0x2a: {  	p0 =	seq.s32 s5, $0x0;
	s5 =	sld [smem:$0x3FB3]  }
0x2b: {  	s6 =	sld [smem:$0x3FB4]  }
0x2c: {  	s7 =	sld [smem:$0x3FB5]  }
0x2d: {  	s3 =	simm.s32 $0x108;
	s8 =	sld [smem:$0x3FB6]  }
0x2e: {  	s3 =	simm.s32 @!p0 $0x1082;
	s9 =	sld [smem:$0x3FB7]  }
0x2f: {  	lr =	sadd.s32 s0, s3;
	s0 =	sld [smem:$0x3FAE]  }
0x30: {  	s3 =	sld [smem:$0x3FB1]  }
0x31: {  	[smem:$0x3FBA] =	sst s10  }
0x32: {  	s10 =	sld [smem:$0x3FB8];
	_ =	sdelay $0x3  }
0x33: {  	p0 =	seq.s32 s10, $0x1;
	s10 =	sld [smem:$0x3FBA];
	_ =	sdelay $0x3  }
0x34: {  	[smem:$0x3FBA] =	sst s10  }
0x35: {  	s10 =	sld [smem:$0x3FB9];
	_ =	sdelay $0x3  }
0x36: {  	p1 =	seq.s32 s10, $0x1;
	s10 =	sld [smem:$0x3FBA];
	_ =	sdelay $0x3  }
0x37: {  	[smem:$0x3FBA] =	sst s10  }
0x38: {  	s10 =	sld [smem:$0x3FBB]  }
0x39: {  	_ = 	snop;
	(pc) =	sbr.ind lr, $3  }
0x3a: {  	_ = 	snop  }
0x3b: {  	_ = 	snop  }
0x3c: {  	p2 =	seq.s32 s10, $0x1;
	s10 =	sld [smem:$0x3FBA]  }
0x3d: {  	_ =	shalt  }
0x3e: {  	_ =	shalt  }
0x3f: {  	_ =	shalt  }
0x40: {  	_ =	shalt  }
0x41: {  	_ =	shalt  }
0x42: {  	_ =	shalt  }
0x43: {  	_ =	shalt  }
0x44: {  	_ =	shalt  }
0x45: {  	_ =	shalt  }
0x46: {  	_ =	shalt  }
0x47: {  	_ =	shalt  }
0x48: {  	_ =	shalt  }
0x49: {  	_ =	shalt  }
0x4a: {  	_ =	shalt  }
0x4b: {  	_ =	shalt  }
0x4c: {  	_ =	shalt  }
0x4d: {  	_ =	shalt  }
0x4e: {  	_ =	shalt  }
0x4f: {  	_ =	shalt  }
0x50: {  	_ =	shalt  }
0x51: {  	_ =	shalt  }
0x52: {  	_ =	shalt  }
0x53: {  	_ =	shalt  }
0x54: {  	_ =	shalt  }
0x55: {  	_ =	shalt  }
0x56: {  	_ =	shalt  }
0x57: {  	_ =	shalt  }
0x58: {  	_ =	shalt  }
0x59: {  	_ =	shalt  }
0x5a: {  	_ =	shalt  }
0x5b: {  	_ =	shalt  }
0x5c: {  	_ =	shalt  }
0x5d: {  	_ =	shalt  }
0x5e: {  	_ =	shalt  }
0x5f: {  	_ =	shalt  }
0x60: {  	_ =	shalt  }
0x61: {  	_ =	shalt  }
0x62: {  	_ =	shalt  }
0x63: {  	_ =	shalt  }
0x64: {  	_ =	shalt  }
0x65: {  	_ =	shalt  }
0x66: {  	_ =	shalt  }
0x67: {  	_ =	shalt  }
0x68: {  	_ =	shalt  }
0x69: {  	_ =	shalt  }
0x6a: {  	_ =	shalt  }
0x6b: {  	_ =	shalt  }
0x6c: {  	_ =	shalt  }
0x6d: {  	_ =	shalt  }
0x6e: {  	_ =	shalt  }
0x6f: {  	_ =	shalt  }
0x70: {  	_ =	shalt  }
0x71: {  	_ =	shalt  }
0x72: {  	_ =	shalt  }
0x73: {  	_ =	shalt  }
0x74: {  	_ =	shalt  }
0x75: {  	_ =	shalt  }
0x76: {  	_ =	shalt  }
0x77: {  	_ =	shalt  }
0x78: {  	_ =	shalt  }
0x79: {  	_ =	shalt  }
0x7a: {  	_ =	shalt  }
0x7b: {  	_ =	shalt  }
0x7c: {  	_ =	shalt  }
0x7d: {  	_ =	shalt  }
0x7e: {  	_ =	shalt  }
0x7f: {  	_ =	shalt  }
0x80: {  	_ =	shalt  }
0x81: {  	_ =	shalt  }
0x82: {  	_ =	shalt  }
0x83: {  	_ =	shalt  }
0x84: {  	_ =	shalt  }
0x85: {  	_ =	shalt  }
0x86: {  	_ =	shalt  }
0x87: {  	_ =	shalt  }
.Lfunc_end0:
.L_simem_size_0:
called_computation_lowered:
.L_overlay_start_0:
0x88: {  	s0 =	sld [smem:$0x3FD9]  }
0x89: {  	s1 =	sld [smem:$0x3FFE];
	_ =	sdelay $0x3  }
0x8a: {  	s0 =	sadd.s32 s1, s0  }
0x8b: {  	[smem:$0x3FC6] =	sst s0  }
0x8c: {  	_ = 	snop  }
0x8d: {  	s0 =	sld [smem:$0x3FC9]  }
0x8e: {  	s17 =	sld [smem:$0x3FC8]  }
0x8f: {  	s2 =	sld [smem:$0x3FD0];
	(tm) =	ssettm $0x1  }
0x90: {  	s3 =	sld [smem:$0x3FFB];
	_ =	sdelay $0x3  }
0x91: {  	_ =	strace s3  }
0x92: {  	s3 =	sld [smem:$0x3FFC];
	_ =	sdelay $0x3  }
0x93: {  	_ =	strace s3  }
0x94: {  	s3 =	sld [smem:$0x3FFD];
	_ =	sdelay $0x3  }
0x95: {  	_ =	strace s3  }
0x96: {  	_ =	strace $0x8FFFFFFF  }
0x97: {  	s18 =	sld [smem:$0x3FDB];
	_ =	sdelay $0x1  }
0x98: {  	s4 =	simm.s32 $_scs_section_size  }
0x99: {  	s5 =	simm.s32 $_size__tile_overlayer_lowered;
	s6 =	simm.s32 $_tile_overlayer_lowered  }
0x9a: {  	s21 =	simm.s32 $0x1BFF;
	s20 =	sshll.u32 s6, $0x1;
	s3 =	sadd.s32 s4, s18  }
0x9b: {  	s7 =	simm.s32 $0x0;
	s19 =	sshll.u32 s5, $0x1;
	s5 =	sadd.s32 s20, s3  }
0x9c: {  	[timem:s7], [sflag:s21] =	dma.local [hbm:s5], s19  }
0x9d: {  	_ =	swait.ge [sflag:s21], s19  }
0x9e: {  	s4 =	ssub.s32 $0x0, s19;
	[sflag:s21] =	ssyncset.done $0x0  }
0x9f: {  	[sflag:s21] =	ssyncadd.s32 s4;
	_ =	sdelay $0x1  }
0xa0: {  	s22 =	simm.s32 $0x1B8B  }
0xa1: {  	_ =	swait.ge [sflag:s22], $0x1  }
0xa2: {  	[sflag:s22] =	ssyncset.done $0x0  }
0xa3: {  	s23 =	simm.s32 $0x1B8E;
	[sflag:s22] =	ssyncadd.s32 $0xFFFFFFFF  }
0xa4: {  	s24 =	simm.s32 $execute0_lowered;
	[smem:$0x3FD2] =	sst s23  }
0xa5: {  	s4 =	sshll.u32 s24, $0x1;
	_ =	strace $0x80000046;
	[dreg:$0x1] =	wrdreg $0xFFFFFFFF  }
0xa6: {  	s25 =	simm.s32 $_size_execute0_lowered;
	s3 =	sadd.s32 s3, s4;
	[dreg:$0x0] =	wrdreg $0x0  }
0xa7: {  	s4 =	sshll.u32 s25, $0x1;
	[dreg:$0x2] =	wrdreg s3  }
0xa8: {  	[dreg:$0x3] =	wrdreg s4  }
0xa9: {  	[dreg:$0x4] =	wrdreg $0xC0  }
0xaa: {  	_ =	task [dreg:s7], $0x5FFFF  }
0xab: {  	[dreg:$0x1] =	wrdreg $0xFFFFFFFF  }
0xac: {  	[dreg:$0x0] =	wrdreg $0x60  }
0xad: {  	[dreg:$0x2] =	wrdreg s0  }
0xae: {  	[dreg:$0x3] =	wrdreg s17  }
0xaf: {  	[dreg:$0x4] =	wrdreg s2  }
0xb0: {  	[dreg:$0x5] =	wrdreg $0x9  }
0xb1: {  	_ =	task.clear_ibuf [dreg:s7], $0x6FFFF;
	_ =	strace $0x90000046  }
0xb2: {  	s26 =	simm.s32 $0x9;
	_ =	strace $0x80000048  }
0xb3: {  	_ =	swait.ge [sflag:s26], $0x1  }
0xb4: {  	[sflag:s26] =	ssyncadd.s32 $0xFFFFFFFF  }
0xb5: {  	_ =	strace $0x90000048  }
0xb6: {  	_ =	sfence  }
0xb7: {  	s28 =	sld [smem:$0x0];
	_ =	sdelay $0x1  }
0xb8: {  	s29 =	srdreg.scid  }
0xb9: {  	s30 =	sshll.u32 s29, $0xD;
	s31 =	sshrl.u32 s29, $0x2  }
0xba: {  	s1 =	sand.u32 $0x1, s29;
	s2 =	sand.u32 $0x4000, s30;
	s0 =	sadd.s32 s31, s28  }
0xbb: {  	s1 =	sor.u32 s2, s1;
	s0 =	sshll.u32 s0, $0x11  }
0xbc: {  	s0 =	sor.u32 s0, s1  }
0xbd: {  	s0 =	sadd.s32 $0x8F2B, s0  }
0xbe: {  	[sflag:s0] =	ssyncadd.remote.s32 $0x1  }
0xbf: {  	_ =	sfence.sel $0xFFFF  }
0xc0: {  	[dreg:$0x0] =	wrdreg $0xFFFFFFFF;
	(pc) =	sbr.abs _section_cstart, $3  }
0xc1: {  	[dreg:$0x1] =	wrdreg $0xFFFFFFFF  }
0xc2: {  	_ =	task.clear_ibuf [dreg:s7], $0x2FFFF;
	_ =	strace $0x9FFFFFFF  }
0xc3: {  	(tm) =	ssettm $0x7FFFFFFF  }
tec
execute0_lowered:
.L_overlay_start_1:
0x0: {  	(tag) =	ssettag $0x1  }
0x1: {  	s1 =	stileid.u32  }
0x2: {  	p0 =	sgt.u32 s1, $0x7  }
.Ltmp0:
0x3: {  	s5 =	rddreg [dreg:$0x0];
	(pc) =	sbr.rel @p0 .LBB2_2-.Ltmp0, $4  }
0x4: {  	s6 =	rddreg [dreg:$0x1]  }
0x5: {  	s3 =	rddreg [dreg:$0x2];
	s2 =	simm.s32 $0x0  }
0x6: {  	[smem:$0x7FF] =	sst s2  }
0x7: {  	s0 =	rddreg [dreg:$0x3];
	_ =	strace $0x80000047  }
0x8: {  	s4 =	sshll.u32 s1, $0x6  }
0x9: {  	[tilespmem:s2], [sflag:$0x1] =	stream.linear.gather [hbm4b:s6+s2], $0x3E8, $0x38;
	[tilespmem:$0x7E8] =	vst v63  }
0xa: {  	s28 =	simm.s32 $0x3E8;
	s29 =	simm.s32 $0x1;
	s5 =	sadd.s32 s5, s4  }
0xb: {  	[tilespmem:s28], [sflag:$0x1] =	stream.linear.gather [hbm4b:s5+s2], $0x200, $0x38;
	[tilespmem:$0x7E8] =	vst v63  }
0xc: {  	_ =	swait.ge [sflag:s29], $0x3E8  }
0xd: {  	[sflag:s29] =	ssyncset.done $0x0  }
0xe: {  	[sflag:s29] =	ssyncadd.s32 $0xFFFFFC18  }
0xf: {  	_ =	swait.ge [sflag:s29], $0x200  }
0x10: {  	[sflag:s29] =	ssyncset.done $0x0  }
0x11: {  	[sflag:s29] =	ssyncadd.s32 $0xFFFFFE00  }
0x12: {  	v0 =	vld [tilespmem:$0x3E8];
	_ =	sdelay $0x5  }
0x13: {  	v1 =	vld [tilespmem:$0x3F8];
	_ =	sdelay $0x1  }
0x14: {  	v0 =	vld.idx.msk [tilespmem:v0+s2+$0x0], $0xffff;
	_ =	sdelay $0x3  }
0x15: {  	v2 =	vld [tilespmem:$0x408]  }
0x16: {  	[tilespmem:$0x5E8] =	vst v0  }
0x17: {  	v0 =	vld.idx.msk [tilespmem:v1+s2+$0x0], $0xffff;
	_ =	sdelay $0x3  }
0x18: {  	v35 =	vld [tilespmem:$0x418]  }
0x19: {  	[tilespmem:$0x5F8] =	vst v0  }
0x1a: {  	v0 =	vld.idx.msk [tilespmem:v2+s2+$0x0], $0xffff;
	_ =	sdelay $0x3  }
0x1b: {  	v36 =	vld [tilespmem:$0x428]  }
0x1c: {  	[tilespmem:$0x608] =	vst v0  }
0x1d: {  	v0 =	vld.idx.msk [tilespmem:v35+s2+$0x0], $0xffff;
	_ =	sdelay $0x3  }
0x1e: {  	v37 =	vld [tilespmem:$0x438]  }
0x1f: {  	[tilespmem:$0x618] =	vst v0  }
0x20: {  	v0 =	vld.idx.msk [tilespmem:v36+s2+$0x0], $0xffff;
	_ =	sdelay $0x3  }
0x21: {  	v38 =	vld [tilespmem:$0x448]  }
0x22: {  	[tilespmem:$0x628] =	vst v0  }
0x23: {  	v0 =	vld.idx.msk [tilespmem:v37+s2+$0x0], $0xffff;
	_ =	sdelay $0x3  }
0x24: {  	v39 =	vld [tilespmem:$0x458]  }
0x25: {  	[tilespmem:$0x638] =	vst v0  }
0x26: {  	v0 =	vld.idx.msk [tilespmem:v38+s2+$0x0], $0xffff;
	_ =	sdelay $0x3  }
0x27: {  	v40 =	vld [tilespmem:$0x468]  }
0x28: {  	[tilespmem:$0x648] =	vst v0  }
0x29: {  	v0 =	vld.idx.msk [tilespmem:v39+s2+$0x0], $0xffff;
	_ =	sdelay $0x3  }
0x2a: {  	v41 =	vld [tilespmem:$0x478]  }
0x2b: {  	[tilespmem:$0x658] =	vst v0  }
0x2c: {  	v0 =	vld.idx.msk [tilespmem:v40+s2+$0x0], $0xffff;
	_ =	sdelay $0x3  }
0x2d: {  	v42 =	vld [tilespmem:$0x488]  }
0x2e: {  	[tilespmem:$0x668] =	vst v0  }
0x2f: {  	v0 =	vld.idx.msk [tilespmem:v41+s2+$0x0], $0xffff;
	_ =	sdelay $0x3  }
0x30: {  	v43 =	vld [tilespmem:$0x498]  }
0x31: {  	[tilespmem:$0x678] =	vst v0  }
0x32: {  	v0 =	vld.idx.msk [tilespmem:v42+s2+$0x0], $0xffff;
	_ =	sdelay $0x3  }
0x33: {  	v44 =	vld [tilespmem:$0x4A8]  }
0x34: {  	[tilespmem:$0x688] =	vst v0  }
0x35: {  	v0 =	vld.idx.msk [tilespmem:v43+s2+$0x0], $0xffff;
	_ =	sdelay $0x3  }
0x36: {  	v45 =	vld [tilespmem:$0x4B8]  }
0x37: {  	[tilespmem:$0x698] =	vst v0  }
0x38: {  	v0 =	vld.idx.msk [tilespmem:v44+s2+$0x0], $0xffff;
	_ =	sdelay $0x3  }
0x39: {  	v46 =	vld [tilespmem:$0x4C8]  }
0x3a: {  	[tilespmem:$0x6A8] =	vst v0  }
0x3b: {  	v0 =	vld.idx.msk [tilespmem:v45+s2+$0x0], $0xffff;
	_ =	sdelay $0x3  }
0x3c: {  	v47 =	vld [tilespmem:$0x4D8]  }
0x3d: {  	[tilespmem:$0x6B8] =	vst v0  }
0x3e: {  	v0 =	vld.idx.msk [tilespmem:v46+s2+$0x0], $0xffff;
	_ =	sdelay $0x3  }
0x3f: {  	v48 =	vld [tilespmem:$0x4E8]  }
0x40: {  	[tilespmem:$0x6C8] =	vst v0  }
0x41: {  	v0 =	vld.idx.msk [tilespmem:v47+s2+$0x0], $0xffff;
	_ =	sdelay $0x3  }
0x42: {  	v49 =	vld [tilespmem:$0x4F8]  }
0x43: {  	[tilespmem:$0x6D8] =	vst v0  }
0x44: {  	v0 =	vld.idx.msk [tilespmem:v48+s2+$0x0], $0xffff;
	_ =	sdelay $0x3  }
0x45: {  	v50 =	vld [tilespmem:$0x508]  }
0x46: {  	[tilespmem:$0x6E8] =	vst v0  }
0x47: {  	v0 =	vld.idx.msk [tilespmem:v49+s2+$0x0], $0xffff;
	_ =	sdelay $0x3  }
0x48: {  	v51 =	vld [tilespmem:$0x518]  }
0x49: {  	[tilespmem:$0x6F8] =	vst v0  }
0x4a: {  	v0 =	vld.idx.msk [tilespmem:v50+s2+$0x0], $0xffff;
	_ =	sdelay $0x3  }
0x4b: {  	v52 =	vld [tilespmem:$0x528]  }
0x4c: {  	[tilespmem:$0x708] =	vst v0  }
0x4d: {  	v0 =	vld.idx.msk [tilespmem:v51+s2+$0x0], $0xffff;
	_ =	sdelay $0x3  }
0x4e: {  	v53 =	vld [tilespmem:$0x538]  }
0x4f: {  	[tilespmem:$0x718] =	vst v0  }
0x50: {  	v0 =	vld.idx.msk [tilespmem:v52+s2+$0x0], $0xffff;
	_ =	sdelay $0x3  }
0x51: {  	v54 =	vld [tilespmem:$0x548]  }
0x52: {  	[tilespmem:$0x728] =	vst v0  }
0x53: {  	v0 =	vld.idx.msk [tilespmem:v53+s2+$0x0], $0xffff;
	_ =	sdelay $0x3  }
0x54: {  	v55 =	vld [tilespmem:$0x558]  }
0x55: {  	[tilespmem:$0x738] =	vst v0  }
0x56: {  	v0 =	vld.idx.msk [tilespmem:v54+s2+$0x0], $0xffff;
	_ =	sdelay $0x3  }
0x57: {  	v56 =	vld [tilespmem:$0x568]  }
0x58: {  	[tilespmem:$0x748] =	vst v0  }
0x59: {  	v0 =	vld.idx.msk [tilespmem:v55+s2+$0x0], $0xffff;
	_ =	sdelay $0x3  }
0x5a: {  	v57 =	vld [tilespmem:$0x578]  }
0x5b: {  	[tilespmem:$0x758] =	vst v0  }
0x5c: {  	v0 =	vld.idx.msk [tilespmem:v56+s2+$0x0], $0xffff;
	_ =	sdelay $0x3  }
0x5d: {  	v58 =	vld [tilespmem:$0x588]  }
0x5e: {  	[tilespmem:$0x768] =	vst v0  }
0x5f: {  	v0 =	vld.idx.msk [tilespmem:v57+s2+$0x0], $0xffff;
	_ =	sdelay $0x3  }
0x60: {  	v59 =	vld [tilespmem:$0x598]  }
0x61: {  	[tilespmem:$0x778] =	vst v0  }
0x62: {  	v0 =	vld.idx.msk [tilespmem:v58+s2+$0x0], $0xffff;
	_ =	sdelay $0x3  }
0x63: {  	v60 =	vld [tilespmem:$0x5A8]  }
0x64: {  	[tilespmem:$0x788] =	vst v0  }
0x65: {  	v0 =	vld.idx.msk [tilespmem:v59+s2+$0x0], $0xffff;
	_ =	sdelay $0x3  }
0x66: {  	v61 =	vld [tilespmem:$0x5B8]  }
0x67: {  	[tilespmem:$0x798] =	vst v0  }
0x68: {  	v0 =	vld.idx.msk [tilespmem:v60+s2+$0x0], $0xffff;
	_ =	sdelay $0x3  }
0x69: {  	v62 =	vld [tilespmem:$0x5C8]  }
0x6a: {  	[tilespmem:$0x7A8] =	vst v0  }
0x6b: {  	v0 =	vld.idx.msk [tilespmem:v61+s2+$0x0], $0xffff;
	_ =	sdelay $0x3  }
0x6c: {  	v63 =	vld [tilespmem:$0x5D8]  }
0x6d: {  	[tilespmem:$0x7B8] =	vst v0  }
0x6e: {  	v0 =	vld.idx.msk [tilespmem:v62+s2+$0x0], $0xffff;
	_ =	sdelay $0x4  }
0x6f: {  	[tilespmem:$0x7C8] =	vst v0  }
0x70: {  	v0 =	vld.idx.msk [tilespmem:v63+s2+$0x0], $0xffff;
	_ =	sdelay $0x4  }
0x71: {  	s30 =	simm.s32 $0x5E8;
	s31 =	simm.s32 $0x2;
	s3 =	sadd.s32 s3, s4;
	[tilespmem:$0x7D8] =	vst v0  }
0x72: {  	[hbm4b:s3+s2] =	stream.linear.scatter [tilespmem:s30], [sflag:$0x2], $0x200, $0x38;
	[tilespmem:$0x7E8] =	vst v63  }
0x73: {  	_ =	swait.ge [sflag:s31], $0x200  }
0x74: {  	[sflag:s31] =	ssyncset.done $0x0  }
0x75: {  	[sflag:s31] =	ssyncadd.s32 $0xFFFFFE00  }
.LBB2_2:
0x76: {  	_ =	sfence.sel $0x180000  }
0x77: {  	[bflag:$0x0] =	sbarrier.arrive $0xFFFF  }
0x78: {  	p0 =	sne.s32 s1, $0x0;
	_ =	strace $0x90000047  }
0x79: {  	s0 =	sadd.s32 @!p0 $0x100000, s0;
	[bflag:$0x2] =	sbarrier.arrive $0xFFFF  }
0x7a: {  	[sflag:s0] =	ssyncadd.tile.s32 @!p0 $0x1;
	_ =	shalt  }
.Lfunc_end2:
_tile_overlayer_lowered:
.L_overlay_start_2:
0x7b: {  	(tag) =	ssettag $0x2  }
0x7c: {  	s0 =	rddreg [dreg:$0x0];
	s2 =	stileid.u32  }
0x7d: {  	s1 =	rddreg [dreg:$0x1];
	p0 =	sne.s32 s2, $0x0  }
0x7e: {  	s3 =	rddreg [dreg:$0x2];
	[bflag:$0x3] =	sbarrier.arrive $0xFFFF;
	s2 =	simm.s32 @!p0 $0x1C02  }
0x7f: {  	[timem:s3], [sflag:s2] =	dma.local @!p0 [hbm:s0], s1  }
0x80: {  	s0 =	simm.s32 @!p0 $0x2  }
0x81: {  	_ =	swait.ge @!p0 [sflag:s0], s1  }
0x82: {  	s1 =	ssub.s32 @!p0 $0x0, s1;
	[sflag:s0] =	ssyncset.done @!p0 $0x0  }
0x83: {  	[sflag:s0] =	ssyncadd.s32 @!p0 s1  }
0x84: {  	[bflag:$0x3] =	sbarrier.arrive $0xFFFF  }
0x85: {  	_ =	shalt  }

</sc_bundles>
